<compile_context>
chip_gen: v7x
topology: tpu7x:2x2x1
jax: 0.10.2.dev20260603
libtpu: 0.0.44.dev20260713+nightly
codegen_flags: <defaults>
</compile_context>

<pallas_src>
import functools

import jax
import jax.numpy as jnp
from jax import lax
from jax.experimental import pallas as pl
from jax.experimental.pallas import tpu as pltpu
from jax.experimental.pallas import tpu_sc as plsc

SEQ = 2048
NUM_HEADS = 16
HEAD_DIM = 128

NUM_CORES = 2
NUM_SUBCORES = 16
NW = NUM_CORES * NUM_SUBCORES
ROWS_PER_W = SEQ // NW
CHUNK = 16
NCHUNK = ROWS_PER_W // CHUNK
NBUF = 3

TC_BLOCK = 1024


def _sc_scatter(src_arr, pos):
    mesh = plsc.VectorSubcoreMesh(core_axis_name="c", subcore_axis_name="s")

    @functools.partial(
        pl.kernel,
        mesh=mesh,
        out_type=jax.ShapeDtypeStruct((SEQ, NUM_HEADS, HEAD_DIM), jnp.float32),
        scratch_types=[
            pltpu.VMEM((NCHUNK, CHUNK), jnp.int32),
        ] + [
            pltpu.VMEM((CHUNK, NUM_HEADS, HEAD_DIM), jnp.float32)
            for _ in range(NBUF)
        ] + [
            pltpu.SemaphoreType.DMA,
            pltpu.SemaphoreType.DMA,
            pltpu.SemaphoreType.DMA,
        ],
    )
    def k(src_hbm, pos_hbm, out_hbm, idx_v, *rest):
        bufs = rest[:NBUF]
        sem_in, sem_out, sem_idx = rest[NBUF:]
        wid = lax.axis_index("s") * NUM_CORES + lax.axis_index("c")
        base = wid * ROWS_PER_W

        T = NCHUNK
        idx_d = [
            pltpu.async_copy(pos_hbm.at[pl.ds(base + j * CHUNK, CHUNK)],
                             idx_v.at[j], sem_idx)
            for j in range(NCHUNK)
        ]

        def src_slice(t):
            return src_hbm.at[pl.ds(base + t * CHUNK, CHUNK)]

        def dst_slice(t):
            return out_hbm.at[idx_v.at[t]]

        in_d = [None] * T
        out_d = [None] * T
        for t in range(min(NBUF, T)):
            in_d[t] = pltpu.async_copy(src_slice(t), bufs[t % NBUF], sem_in)
        for d in idx_d:
            d.wait()
        for t in range(T):
            in_d[t].wait()
            out_d[t] = pltpu.async_copy(bufs[t % NBUF], dst_slice(t), sem_out)
            s = t + NBUF - 1
            if t >= 1 and s < T:
                out_d[s - NBUF].wait()
                in_d[s] = pltpu.async_copy(src_slice(s), bufs[s % NBUF],
                                           sem_in)
        for t in range(max(0, T - NBUF), T):
            out_d[t].wait()

    return k(src_arr, pos)


def _tc_body(pos_ref, in_ref, out_ref):
    del pos_ref
    out_ref[...] = in_ref[...]


def _tc_scatter(src_arr, pos):
    grid = SEQ // TC_BLOCK
    return pl.pallas_call(
        _tc_body,
        grid_spec=pltpu.PrefetchScalarGridSpec(
            num_scalar_prefetch=1,
            grid=(grid,),
            in_specs=[
                pl.BlockSpec((TC_BLOCK, NUM_HEADS, HEAD_DIM),
                             lambda i, pos: (i, 0, 0)),
            ],
            out_specs=pl.BlockSpec(
                (TC_BLOCK, NUM_HEADS, HEAD_DIM),
                lambda i, pos: (pos[i * TC_BLOCK] // TC_BLOCK, 0, 0)),
        ),
        out_shape=jax.ShapeDtypeStruct((SEQ, NUM_HEADS, HEAD_DIM),
                                       jnp.float32),
    )(pos, src_arr)


def kernel(keys, values, batch_idx, position_ids, key_cache, value_cache,
           current_seq_lens):
    del batch_idx, key_cache, value_cache, current_seq_lens
    ko = _sc_scatter(keys, position_ids)
    vo = _tc_scatter(values, position_ids)
    return (ko, vo)

# --- scband reference (transcript-rebuilt; emitter-appended) ---
"""Pipeline reference for scband-kvcache-kernel-88562225643902 (READ-ONLY COPY).

The authoritative reference and input builder live on the scoring server;
editing this copy changes nothing except your own understanding.
"""

import jax, jax.numpy as jnp
import numpy as np

MAX_BATCH = 4
MAX_SEQ = 4096
NUM_HEADS = 16
HEAD_DIM = 128
SEQ = 2048


def setup_inputs(seed: int = 0) -> dict:
    key = jax.random.key(seed)
    k1, k2 = jax.random.split(key)
    keys = jax.random.normal(k1, (SEQ, NUM_HEADS, HEAD_DIM), dtype=jnp.float32)
    values = jax.random.normal(k2, (SEQ, NUM_HEADS, HEAD_DIM), dtype=jnp.float32)
    batch_idx = 2
    position_ids = jnp.arange(SEQ, dtype=jnp.int32)
    # module state (buffers): the KV caches and per-batch seq length counters
    key_cache = jnp.zeros((MAX_BATCH, NUM_HEADS, MAX_SEQ, HEAD_DIM), dtype=jnp.float32)
    value_cache = jnp.zeros((MAX_BATCH, NUM_HEADS, MAX_SEQ, HEAD_DIM), dtype=jnp.float32)
    current_seq_lens = jnp.zeros((MAX_BATCH,), dtype=jnp.int32)
    return {
        "keys": keys,
        "values": values,
        "batch_idx": batch_idx,
        "position_ids": position_ids,
        "key_cache": key_cache,
        "value_cache": value_cache,
        "current_seq_lens": current_seq_lens,
    }


def reference(keys, values, batch_idx, position_ids, key_cache, value_cache, current_seq_lens):
    # scatter-overwrite new K/V rows into the cache at (batch_idx, :, position_ids, :)
    # NOTE: under numpy/jax advanced-indexing semantics the indexed region has shape
    # [SEQ, H, D] (advanced dims first), which matches keys/values layout [S, H, D].
    kc = key_cache.at[batch_idx, :, position_ids, :].set(keys)
    vc = value_cache.at[batch_idx, :, position_ids, :].set(values)
    # bookkeeping: current sequence length for this batch entry
    new_len = position_ids.max() + 1
    csl = current_seq_lens.at[batch_idx].set(new_len.astype(current_seq_lens.dtype))
    current_len = position_ids.shape[0]
    # gather the valid prefix of the cache: [H, L, D] -> transpose -> [L, H, D]
    full_keys = jnp.transpose(kc[batch_idx, :, :current_len, :], (1, 0, 2))
    full_values = jnp.transpose(vc[batch_idx, :, :current_len, :], (1, 0, 2))
    return (full_keys, full_values)

if __name__ == "__main__":
    import jax
    _d = setup_inputs()
    print(jax.jit(kernel)(*tuple(_d.values())))

</pallas_src>

<mosaic_0001>
#map = affine_map<(d0, d1) -> (0, 0, 0)>
#map1 = affine_map<(d0, d1) -> (0)>
module attributes {stable_mosaic.version = 14 : i64} {
  func.func @k(%arg0: i32, %arg1: i32, %arg2: memref<2048x16x128xf32, #tpu.memory_space<hbm>>, %arg3: memref<2048xi32, #tpu.memory_space<hbm>>, %arg4: memref<2048x16x128xf32, #tpu.memory_space<hbm>>, %arg5: memref<4x16xi32, #tpu.memory_space<vmem>>, %arg6: memref<16x16x128xf32, #tpu.memory_space<vmem>>, %arg7: memref<16x16x128xf32, #tpu.memory_space<vmem>>, %arg8: memref<16x16x128xf32, #tpu.memory_space<vmem>>, %arg9: memref<!tpu.dma_semaphore, #tpu.memory_space<semaphore_mem>>, %arg10: memref<!tpu.dma_semaphore, #tpu.memory_space<semaphore_mem>>, %arg11: memref<!tpu.dma_semaphore, #tpu.memory_space<semaphore_mem>>) attributes {dimension_semantics = [#tpu.dimension_semantics<core_parallel>, #tpu.dimension_semantics<subcore_parallel>], iteration_bounds = array<i64: 2, 16>, scalar_prefetch = 0 : i64, scratch_operands = 7 : i64, tpu.core_type = #tpu.core_type<sc_vector_subcore>, window_params = [{transform_indices = #map}, {transform_indices = #map1}, {transform_indices = #map}]} {
    %mul3A = arith.constant 2 : i32
    %mul3A_0 = arith.muli %arg1, %mul3A : i32
    %add3A = arith.addi %mul3A_0, %arg0 : i32
    %mul3A_1 = arith.constant 64 : i32
    %mul3A_2 = arith.muli %add3A, %mul3A_1 : i32
    %add3A_3 = arith.constant 0 : i32
    %add3A_4 = arith.addi %mul3A_2, %add3A_3 : i32
    %dma_start3A = arith.constant 0 : i32
    %dma_start3A_5 = arith.constant 0 : i32
    %dma_start3A_6 = tpu.memref_slice %arg5[%dma_start3A, %dma_start3A_5] : memref<4x16xi32, #tpu.memory_space<vmem>> -> memref<1x16xi32, #tpu.memory_space<vmem>>
    %dma_start3A_7 = tpu.memref_squeeze %dma_start3A_6 : memref<1x16xi32, #tpu.memory_space<vmem>> -> memref<16xi32, #tpu.memory_space<vmem>>
    %dma_start3A_8 = tpu.memref_slice %arg3[%add3A_4] : memref<2048xi32, #tpu.memory_space<hbm>> -> memref<16xi32, #tpu.memory_space<hbm>>
    %dma_start3A_9 = arith.constant 0 : i32
    %dma_start3A_10 = tpu.memref_slice %arg5[%dma_start3A, %dma_start3A_9] : memref<4x16xi32, #tpu.memory_space<vmem>> -> memref<1x16xi32, #tpu.memory_space<vmem>>
    %dma_start3A_11 = tpu.memref_squeeze %dma_start3A_10 : memref<1x16xi32, #tpu.memory_space<vmem>> -> memref<16xi32, #tpu.memory_space<vmem>>
    %dma_start3A_12 = tpu.memref_slice %arg3[%add3A_4] : memref<2048xi32, #tpu.memory_space<hbm>> -> memref<16xi32, #tpu.memory_space<hbm>>
    tpu.enqueue_dma source(%dma_start3A_12 : memref<16xi32, #tpu.memory_space<hbm>>) target(%dma_start3A_11 : memref<16xi32, #tpu.memory_space<vmem>>) target_semaphore(%arg11 : memref<!tpu.dma_semaphore, #tpu.memory_space<semaphore_mem>>)
    %add3A_13 = arith.constant 16 : i32
    %add3A_14 = arith.addi %mul3A_2, %add3A_13 : i32
    %dma_start3A_15 = arith.constant 1 : i32
    %dma_start3A_16 = arith.constant 0 : i32
    %dma_start3A_17 = tpu.memref_slice %arg5[%dma_start3A_15, %dma_start3A_16] : memref<4x16xi32, #tpu.memory_space<vmem>> -> memref<1x16xi32, #tpu.memory_space<vmem>>
    %dma_start3A_18 = tpu.memref_squeeze %dma_start3A_17 : memref<1x16xi32, #tpu.memory_space<vmem>> -> memref<16xi32, #tpu.memory_space<vmem>>
    %dma_start3A_19 = tpu.memref_slice %arg3[%add3A_14] : memref<2048xi32, #tpu.memory_space<hbm>> -> memref<16xi32, #tpu.memory_space<hbm>>
    %dma_start3A_20 = arith.constant 0 : i32
    %dma_start3A_21 = tpu.memref_slice %arg5[%dma_start3A_15, %dma_start3A_20] : memref<4x16xi32, #tpu.memory_space<vmem>> -> memref<1x16xi32, #tpu.memory_space<vmem>>
    %dma_start3A_22 = tpu.memref_squeeze %dma_start3A_21 : memref<1x16xi32, #tpu.memory_space<vmem>> -> memref<16xi32, #tpu.memory_space<vmem>>
    %dma_start3A_23 = tpu.memref_slice %arg3[%add3A_14] : memref<2048xi32, #tpu.memory_space<hbm>> -> memref<16xi32, #tpu.memory_space<hbm>>
    tpu.enqueue_dma source(%dma_start3A_23 : memref<16xi32, #tpu.memory_space<hbm>>) target(%dma_start3A_22 : memref<16xi32, #tpu.memory_space<vmem>>) target_semaphore(%arg11 : memref<!tpu.dma_semaphore, #tpu.memory_space<semaphore_mem>>)
    %add3A_24 = arith.constant 32 : i32
    %add3A_25 = arith.addi %mul3A_2, %add3A_24 : i32
    %dma_start3A_26 = arith.constant 2 : i32
    %dma_start3A_27 = arith.constant 0 : i32
    %dma_start3A_28 = tpu.memref_slice %arg5[%dma_start3A_26, %dma_start3A_27] : memref<4x16xi32, #tpu.memory_space<vmem>> -> memref<1x16xi32, #tpu.memory_space<vmem>>
    %dma_start3A_29 = tpu.memref_squeeze %dma_start3A_28 : memref<1x16xi32, #tpu.memory_space<vmem>> -> memref<16xi32, #tpu.memory_space<vmem>>
    %dma_start3A_30 = tpu.memref_slice %arg3[%add3A_25] : memref<2048xi32, #tpu.memory_space<hbm>> -> memref<16xi32, #tpu.memory_space<hbm>>
    %dma_start3A_31 = arith.constant 0 : i32
    %dma_start3A_32 = tpu.memref_slice %arg5[%dma_start3A_26, %dma_start3A_31] : memref<4x16xi32, #tpu.memory_space<vmem>> -> memref<1x16xi32, #tpu.memory_space<vmem>>
    %dma_start3A_33 = tpu.memref_squeeze %dma_start3A_32 : memref<1x16xi32, #tpu.memory_space<vmem>> -> memref<16xi32, #tpu.memory_space<vmem>>
    %dma_start3A_34 = tpu.memref_slice %arg3[%add3A_25] : memref<2048xi32, #tpu.memory_space<hbm>> -> memref<16xi32, #tpu.memory_space<hbm>>
    tpu.enqueue_dma source(%dma_start3A_34 : memref<16xi32, #tpu.memory_space<hbm>>) target(%dma_start3A_33 : memref<16xi32, #tpu.memory_space<vmem>>) target_semaphore(%arg11 : memref<!tpu.dma_semaphore, #tpu.memory_space<semaphore_mem>>)
    %add3A_35 = arith.constant 48 : i32
    %add3A_36 = arith.addi %mul3A_2, %add3A_35 : i32
    %dma_start3A_37 = arith.constant 3 : i32
    %dma_start3A_38 = arith.constant 0 : i32
    %dma_start3A_39 = tpu.memref_slice %arg5[%dma_start3A_37, %dma_start3A_38] : memref<4x16xi32, #tpu.memory_space<vmem>> -> memref<1x16xi32, #tpu.memory_space<vmem>>
    %dma_start3A_40 = tpu.memref_squeeze %dma_start3A_39 : memref<1x16xi32, #tpu.memory_space<vmem>> -> memref<16xi32, #tpu.memory_space<vmem>>
    %dma_start3A_41 = tpu.memref_slice %arg3[%add3A_36] : memref<2048xi32, #tpu.memory_space<hbm>> -> memref<16xi32, #tpu.memory_space<hbm>>
    %dma_start3A_42 = arith.constant 0 : i32
    %dma_start3A_43 = tpu.memref_slice %arg5[%dma_start3A_37, %dma_start3A_42] : memref<4x16xi32, #tpu.memory_space<vmem>> -> memref<1x16xi32, #tpu.memory_space<vmem>>
    %dma_start3A_44 = tpu.memref_squeeze %dma_start3A_43 : memref<1x16xi32, #tpu.memory_space<vmem>> -> memref<16xi32, #tpu.memory_space<vmem>>
    %dma_start3A_45 = tpu.memref_slice %arg3[%add3A_36] : memref<2048xi32, #tpu.memory_space<hbm>> -> memref<16xi32, #tpu.memory_space<hbm>>
    tpu.enqueue_dma source(%dma_start3A_45 : memref<16xi32, #tpu.memory_space<hbm>>) target(%dma_start3A_44 : memref<16xi32, #tpu.memory_space<vmem>>) target_semaphore(%arg11 : memref<!tpu.dma_semaphore, #tpu.memory_space<semaphore_mem>>)
    %add3A_46 = arith.constant 0 : i32
    %add3A_47 = arith.addi %mul3A_2, %add3A_46 : i32
    %dma_start3A_48 = arith.constant 0 : i32
    %dma_start3A_49 = arith.constant 0 : i32
    %dma_start3A_50 = tpu.memref_slice %arg2[%add3A_47, %dma_start3A_48, %dma_start3A_49] : memref<2048x16x128xf32, #tpu.memory_space<hbm>> -> memref<16x16x128xf32, #tpu.memory_space<hbm>>
    %dma_start3A_51 = arith.constant 0 : i32
    %dma_start3A_52 = arith.constant 0 : i32
    %dma_start3A_53 = tpu.memref_slice %arg2[%add3A_47, %dma_start3A_51, %dma_start3A_52] : memref<2048x16x128xf32, #tpu.memory_space<hbm>> -> memref<16x16x128xf32, #tpu.memory_space<hbm>>
    tpu.enqueue_dma source(%dma_start3A_53 : memref<16x16x128xf32, #tpu.memory_space<hbm>>) target(%arg6 : memref<16x16x128xf32, #tpu.memory_space<vmem>>) target_semaphore(%arg9 : memref<!tpu.dma_semaphore, #tpu.memory_space<semaphore_mem>>)
    %add3A_54 = arith.constant 16 : i32
    %add3A_55 = arith.addi %mul3A_2, %add3A_54 : i32
    %dma_start3A_56 = arith.constant 0 : i32
    %dma_start3A_57 = arith.constant 0 : i32
    %dma_start3A_58 = tpu.memref_slice %arg2[%add3A_55, %dma_start3A_56, %dma_start3A_57] : memref<2048x16x128xf32, #tpu.memory_space<hbm>> -> memref<16x16x128xf32, #tpu.memory_space<hbm>>
    %dma_start3A_59 = arith.constant 0 : i32
    %dma_start3A_60 = arith.constant 0 : i32
    %dma_start3A_61 = tpu.memref_slice %arg2[%add3A_55, %dma_start3A_59, %dma_start3A_60] : memref<2048x16x128xf32, #tpu.memory_space<hbm>> -> memref<16x16x128xf32, #tpu.memory_space<hbm>>
    tpu.enqueue_dma source(%dma_start3A_61 : memref<16x16x128xf32, #tpu.memory_space<hbm>>) target(%arg7 : memref<16x16x128xf32, #tpu.memory_space<vmem>>) target_semaphore(%arg9 : memref<!tpu.dma_semaphore, #tpu.memory_space<semaphore_mem>>)
    %add3A_62 = arith.constant 32 : i32
    %add3A_63 = arith.addi %mul3A_2, %add3A_62 : i32
    %dma_start3A_64 = arith.constant 0 : i32
    %dma_start3A_65 = arith.constant 0 : i32
    %dma_start3A_66 = tpu.memref_slice %arg2[%add3A_63, %dma_start3A_64, %dma_start3A_65] : memref<2048x16x128xf32, #tpu.memory_space<hbm>> -> memref<16x16x128xf32, #tpu.memory_space<hbm>>
    %dma_start3A_67 = arith.constant 0 : i32
    %dma_start3A_68 = arith.constant 0 : i32
    %dma_start3A_69 = tpu.memref_slice %arg2[%add3A_63, %dma_start3A_67, %dma_start3A_68] : memref<2048x16x128xf32, #tpu.memory_space<hbm>> -> memref<16x16x128xf32, #tpu.memory_space<hbm>>
    tpu.enqueue_dma source(%dma_start3A_69 : memref<16x16x128xf32, #tpu.memory_space<hbm>>) target(%arg8 : memref<16x16x128xf32, #tpu.memory_space<vmem>>) target_semaphore(%arg9 : memref<!tpu.dma_semaphore, #tpu.memory_space<semaphore_mem>>)
    %dma_wait3A = arith.constant 0 : i32
    %dma_wait3A_70 = arith.constant 0 : i32
    %dma_wait3A_71 = tpu.memref_slice %arg5[%dma_wait3A, %dma_wait3A_70] : memref<4x16xi32, #tpu.memory_space<vmem>> -> memref<1x16xi32, #tpu.memory_space<vmem>>
    %dma_wait3A_72 = tpu.memref_squeeze %dma_wait3A_71 : memref<1x16xi32, #tpu.memory_space<vmem>> -> memref<16xi32, #tpu.memory_space<vmem>>
    %dma_wait3A_73 = tpu.memref_slice %arg3[%add3A_4] : memref<2048xi32, #tpu.memory_space<hbm>> -> memref<16xi32, #tpu.memory_space<hbm>>
    %dma_wait3A_74 = arith.constant 0 : i32
    %dma_wait3A_75 = tpu.memref_slice %arg5[%dma_wait3A, %dma_wait3A_74] : memref<4x16xi32, #tpu.memory_space<vmem>> -> memref<1x16xi32, #tpu.memory_space<vmem>>
    %dma_wait3A_76 = tpu.memref_squeeze %dma_wait3A_75 : memref<1x16xi32, #tpu.memory_space<vmem>> -> memref<16xi32, #tpu.memory_space<vmem>>
    %dma_wait3A_77 = tpu.memref_slice %arg3[%add3A_4] : memref<2048xi32, #tpu.memory_space<hbm>> -> memref<16xi32, #tpu.memory_space<hbm>>
    tpu.wait_dma2 semaphore(%arg11 : memref<!tpu.dma_semaphore, #tpu.memory_space<semaphore_mem>>) src(%dma_wait3A_77 : memref<16xi32, #tpu.memory_space<hbm>>) dst(%dma_wait3A_76 : memref<16xi32, #tpu.memory_space<vmem>>)
    %dma_wait3A_78 = arith.constant 1 : i32
    %dma_wait3A_79 = arith.constant 0 : i32
    %dma_wait3A_80 = tpu.memref_slice %arg5[%dma_wait3A_78, %dma_wait3A_79] : memref<4x16xi32, #tpu.memory_space<vmem>> -> memref<1x16xi32, #tpu.memory_space<vmem>>
    %dma_wait3A_81 = tpu.memref_squeeze %dma_wait3A_80 : memref<1x16xi32, #tpu.memory_space<vmem>> -> memref<16xi32, #tpu.memory_space<vmem>>
    %dma_wait3A_82 = tpu.memref_slice %arg3[%add3A_14] : memref<2048xi32, #tpu.memory_space<hbm>> -> memref<16xi32, #tpu.memory_space<hbm>>
    %dma_wait3A_83 = arith.constant 0 : i32
    %dma_wait3A_84 = tpu.memref_slice %arg5[%dma_wait3A_78, %dma_wait3A_83] : memref<4x16xi32, #tpu.memory_space<vmem>> -> memref<1x16xi32, #tpu.memory_space<vmem>>
    %dma_wait3A_85 = tpu.memref_squeeze %dma_wait3A_84 : memref<1x16xi32, #tpu.memory_space<vmem>> -> memref<16xi32, #tpu.memory_space<vmem>>
    %dma_wait3A_86 = tpu.memref_slice %arg3[%add3A_14] : memref<2048xi32, #tpu.memory_space<hbm>> -> memref<16xi32, #tpu.memory_space<hbm>>
    tpu.wait_dma2 semaphore(%arg11 : memref<!tpu.dma_semaphore, #tpu.memory_space<semaphore_mem>>) src(%dma_wait3A_86 : memref<16xi32, #tpu.memory_space<hbm>>) dst(%dma_wait3A_85 : memref<16xi32, #tpu.memory_space<vmem>>)
    %dma_wait3A_87 = arith.constant 2 : i32
    %dma_wait3A_88 = arith.constant 0 : i32
    %dma_wait3A_89 = tpu.memref_slice %arg5[%dma_wait3A_87, %dma_wait3A_88] : memref<4x16xi32, #tpu.memory_space<vmem>> -> memref<1x16xi32, #tpu.memory_space<vmem>>
    %dma_wait3A_90 = tpu.memref_squeeze %dma_wait3A_89 : memref<1x16xi32, #tpu.memory_space<vmem>> -> memref<16xi32, #tpu.memory_space<vmem>>
    %dma_wait3A_91 = tpu.memref_slice %arg3[%add3A_25] : memref<2048xi32, #tpu.memory_space<hbm>> -> memref<16xi32, #tpu.memory_space<hbm>>
    %dma_wait3A_92 = arith.constant 0 : i32
    %dma_wait3A_93 = tpu.memref_slice %arg5[%dma_wait3A_87, %dma_wait3A_92] : memref<4x16xi32, #tpu.memory_space<vmem>> -> memref<1x16xi32, #tpu.memory_space<vmem>>
    %dma_wait3A_94 = tpu.memref_squeeze %dma_wait3A_93 : memref<1x16xi32, #tpu.memory_space<vmem>> -> memref<16xi32, #tpu.memory_space<vmem>>
    %dma_wait3A_95 = tpu.memref_slice %arg3[%add3A_25] : memref<2048xi32, #tpu.memory_space<hbm>> -> memref<16xi32, #tpu.memory_space<hbm>>
    tpu.wait_dma2 semaphore(%arg11 : memref<!tpu.dma_semaphore, #tpu.memory_space<semaphore_mem>>) src(%dma_wait3A_95 : memref<16xi32, #tpu.memory_space<hbm>>) dst(%dma_wait3A_94 : memref<16xi32, #tpu.memory_space<vmem>>)
    %dma_wait3A_96 = arith.constant 3 : i32
    %dma_wait3A_97 = arith.constant 0 : i32
    %dma_wait3A_98 = tpu.memref_slice %arg5[%dma_wait3A_96, %dma_wait3A_97] : memref<4x16xi32, #tpu.memory_space<vmem>> -> memref<1x16xi32, #tpu.memory_space<vmem>>
    %dma_wait3A_99 = tpu.memref_squeeze %dma_wait3A_98 : memref<1x16xi32, #tpu.memory_space<vmem>> -> memref<16xi32, #tpu.memory_space<vmem>>
    %dma_wait3A_100 = tpu.memref_slice %arg3[%add3A_36] : memref<2048xi32, #tpu.memory_space<hbm>> -> memref<16xi32, #tpu.memory_space<hbm>>
    %dma_wait3A_101 = arith.constant 0 : i32
    %dma_wait3A_102 = tpu.memref_slice %arg5[%dma_wait3A_96, %dma_wait3A_101] : memref<4x16xi32, #tpu.memory_space<vmem>> -> memref<1x16xi32, #tpu.memory_space<vmem>>
    %dma_wait3A_103 = tpu.memref_squeeze %dma_wait3A_102 : memref<1x16xi32, #tpu.memory_space<vmem>> -> memref<16xi32, #tpu.memory_space<vmem>>
    %dma_wait3A_104 = tpu.memref_slice %arg3[%add3A_36] : memref<2048xi32, #tpu.memory_space<hbm>> -> memref<16xi32, #tpu.memory_space<hbm>>
    tpu.wait_dma2 semaphore(%arg11 : memref<!tpu.dma_semaphore, #tpu.memory_space<semaphore_mem>>) src(%dma_wait3A_104 : memref<16xi32, #tpu.memory_space<hbm>>) dst(%dma_wait3A_103 : memref<16xi32, #tpu.memory_space<vmem>>)
    %dma_wait3A_105 = arith.constant 0 : i32
    %dma_wait3A_106 = arith.constant 0 : i32
    %dma_wait3A_107 = tpu.memref_slice %arg2[%add3A_47, %dma_wait3A_105, %dma_wait3A_106] : memref<2048x16x128xf32, #tpu.memory_space<hbm>> -> memref<16x16x128xf32, #tpu.memory_space<hbm>>
    %dma_wait3A_108 = arith.constant 0 : i32
    %dma_wait3A_109 = arith.constant 0 : i32
    %dma_wait3A_110 = tpu.memref_slice %arg2[%add3A_47, %dma_wait3A_108, %dma_wait3A_109] : memref<2048x16x128xf32, #tpu.memory_space<hbm>> -> memref<16x16x128xf32, #tpu.memory_space<hbm>>
    tpu.wait_dma2 semaphore(%arg9 : memref<!tpu.dma_semaphore, #tpu.memory_space<semaphore_mem>>) src(%dma_wait3A_110 : memref<16x16x128xf32, #tpu.memory_space<hbm>>) dst(%arg6 : memref<16x16x128xf32, #tpu.memory_space<vmem>>)
    %dma_start3A_111 = arith.constant 0 : i32
    %dma_start3A_112 = arith.constant 0 : i32
    %dma_start3A_113 = tpu.memref_slice %arg5[%dma_start3A_111, %dma_start3A_112] : memref<4x16xi32, #tpu.memory_space<vmem>> -> memref<1x16xi32, #tpu.memory_space<vmem>>
    %dma_start3A_114 = tpu.memref_squeeze %dma_start3A_113 : memref<1x16xi32, #tpu.memory_space<vmem>> -> memref<16xi32, #tpu.memory_space<vmem>>
    %dma_start3A_115 = arith.constant 0 : i32
    %dma_start3A_116 = arith.constant 0 : i32
    %dma_start3A_117 = arith.constant 0 : i32
    %dma_start3A_118 = tpu.memref_slice %arg4[%dma_start3A_115, %dma_start3A_116, %dma_start3A_117] : memref<2048x16x128xf32, #tpu.memory_space<hbm>> -> memref<2048x16x128xf32, #tpu.memory_space<hbm>>
    tpu.enqueue_indirect_dma source(%arg6 : memref<16x16x128xf32, #tpu.memory_space<vmem>>) target(%dma_start3A_118 : memref<2048x16x128xf32, #tpu.memory_space<hbm>>) offsets(%dma_start3A_114 : memref<16xi32, #tpu.memory_space<vmem>>) semaphore(%arg10 : memref<!tpu.dma_semaphore, #tpu.memory_space<semaphore_mem>>)
    %dma_wait3A_119 = arith.constant 0 : i32
    %dma_wait3A_120 = arith.constant 0 : i32
    %dma_wait3A_121 = tpu.memref_slice %arg2[%add3A_55, %dma_wait3A_119, %dma_wait3A_120] : memref<2048x16x128xf32, #tpu.memory_space<hbm>> -> memref<16x16x128xf32, #tpu.memory_space<hbm>>
    %dma_wait3A_122 = arith.constant 0 : i32
    %dma_wait3A_123 = arith.constant 0 : i32
    %dma_wait3A_124 = tpu.memref_slice %arg2[%add3A_55, %dma_wait3A_122, %dma_wait3A_123] : memref<2048x16x128xf32, #tpu.memory_space<hbm>> -> memref<16x16x128xf32, #tpu.memory_space<hbm>>
    tpu.wait_dma2 semaphore(%arg9 : memref<!tpu.dma_semaphore, #tpu.memory_space<semaphore_mem>>) src(%dma_wait3A_124 : memref<16x16x128xf32, #tpu.memory_space<hbm>>) dst(%arg7 : memref<16x16x128xf32, #tpu.memory_space<vmem>>)
    %dma_start3A_125 = arith.constant 1 : i32
    %dma_start3A_126 = arith.constant 0 : i32
    %dma_start3A_127 = tpu.memref_slice %arg5[%dma_start3A_125, %dma_start3A_126] : memref<4x16xi32, #tpu.memory_space<vmem>> -> memref<1x16xi32, #tpu.memory_space<vmem>>
    %dma_start3A_128 = tpu.memref_squeeze %dma_start3A_127 : memref<1x16xi32, #tpu.memory_space<vmem>> -> memref<16xi32, #tpu.memory_space<vmem>>
    %dma_start3A_129 = arith.constant 0 : i32
    %dma_start3A_130 = arith.constant 0 : i32
    %dma_start3A_131 = arith.constant 0 : i32
    %dma_start3A_132 = tpu.memref_slice %arg4[%dma_start3A_129, %dma_start3A_130, %dma_start3A_131] : memref<2048x16x128xf32, #tpu.memory_space<hbm>> -> memref<2048x16x128xf32, #tpu.memory_space<hbm>>
    tpu.enqueue_indirect_dma source(%arg7 : memref<16x16x128xf32, #tpu.memory_space<vmem>>) target(%dma_start3A_132 : memref<2048x16x128xf32, #tpu.memory_space<hbm>>) offsets(%dma_start3A_128 : memref<16xi32, #tpu.memory_space<vmem>>) semaphore(%arg10 : memref<!tpu.dma_semaphore, #tpu.memory_space<semaphore_mem>>)
    %dma_wait3A_133 = arith.constant 0 : i32
    %dma_wait3A_134 = arith.constant 0 : i32
    %dma_wait3A_135 = tpu.memref_slice %arg5[%dma_wait3A_133, %dma_wait3A_134] : memref<4x16xi32, #tpu.memory_space<vmem>> -> memref<1x16xi32, #tpu.memory_space<vmem>>
    %dma_wait3A_136 = tpu.memref_squeeze %dma_wait3A_135 : memref<1x16xi32, #tpu.memory_space<vmem>> -> memref<16xi32, #tpu.memory_space<vmem>>
    %dma_wait3A_137 = arith.constant 0 : i32
    %dma_wait3A_138 = arith.constant 0 : i32
    %dma_wait3A_139 = arith.constant 0 : i32
    %dma_wait3A_140 = tpu.memref_slice %arg4[%dma_wait3A_137, %dma_wait3A_138, %dma_wait3A_139] : memref<2048x16x128xf32, #tpu.memory_space<hbm>> -> memref<2048x16x128xf32, #tpu.memory_space<hbm>>
    tpu.wait_indirect_dma semaphore(%arg10 : memref<!tpu.dma_semaphore, #tpu.memory_space<semaphore_mem>>) src(%arg6 : memref<16x16x128xf32, #tpu.memory_space<vmem>>) dst(%dma_wait3A_140 : memref<2048x16x128xf32, #tpu.memory_space<hbm>>)
    %add3A_141 = arith.constant 48 : i32
    %add3A_142 = arith.addi %mul3A_2, %add3A_141 : i32
    %dma_start3A_143 = arith.constant 0 : i32
    %dma_start3A_144 = arith.constant 0 : i32
    %dma_start3A_145 = tpu.memref_slice %arg2[%add3A_142, %dma_start3A_143, %dma_start3A_144] : memref<2048x16x128xf32, #tpu.memory_space<hbm>> -> memref<16x16x128xf32, #tpu.memory_space<hbm>>
    %dma_start3A_146 = arith.constant 0 : i32
    %dma_start3A_147 = arith.constant 0 : i32
    %dma_start3A_148 = tpu.memref_slice %arg2[%add3A_142, %dma_start3A_146, %dma_start3A_147] : memref<2048x16x128xf32, #tpu.memory_space<hbm>> -> memref<16x16x128xf32, #tpu.memory_space<hbm>>
    tpu.enqueue_dma source(%dma_start3A_148 : memref<16x16x128xf32, #tpu.memory_space<hbm>>) target(%arg6 : memref<16x16x128xf32, #tpu.memory_space<vmem>>) target_semaphore(%arg9 : memref<!tpu.dma_semaphore, #tpu.memory_space<semaphore_mem>>)
    %dma_wait3A_149 = arith.constant 0 : i32
    %dma_wait3A_150 = arith.constant 0 : i32
    %dma_wait3A_151 = tpu.memref_slice %arg2[%add3A_63, %dma_wait3A_149, %dma_wait3A_150] : memref<2048x16x128xf32, #tpu.memory_space<hbm>> -> memref<16x16x128xf32, #tpu.memory_space<hbm>>
    %dma_wait3A_152 = arith.constant 0 : i32
    %dma_wait3A_153 = arith.constant 0 : i32
    %dma_wait3A_154 = tpu.memref_slice %arg2[%add3A_63, %dma_wait3A_152, %dma_wait3A_153] : memref<2048x16x128xf32, #tpu.memory_space<hbm>> -> memref<16x16x128xf32, #tpu.memory_space<hbm>>
    tpu.wait_dma2 semaphore(%arg9 : memref<!tpu.dma_semaphore, #tpu.memory_space<semaphore_mem>>) src(%dma_wait3A_154 : memref<16x16x128xf32, #tpu.memory_space<hbm>>) dst(%arg8 : memref<16x16x128xf32, #tpu.memory_space<vmem>>)
    %dma_start3A_155 = arith.constant 2 : i32
    %dma_start3A_156 = arith.constant 0 : i32
    %dma_start3A_157 = tpu.memref_slice %arg5[%dma_start3A_155, %dma_start3A_156] : memref<4x16xi32, #tpu.memory_space<vmem>> -> memref<1x16xi32, #tpu.memory_space<vmem>>
    %dma_start3A_158 = tpu.memref_squeeze %dma_start3A_157 : memref<1x16xi32, #tpu.memory_space<vmem>> -> memref<16xi32, #tpu.memory_space<vmem>>
    %dma_start3A_159 = arith.constant 0 : i32
    %dma_start3A_160 = arith.constant 0 : i32
    %dma_start3A_161 = arith.constant 0 : i32
    %dma_start3A_162 = tpu.memref_slice %arg4[%dma_start3A_159, %dma_start3A_160, %dma_start3A_161] : memref<2048x16x128xf32, #tpu.memory_space<hbm>> -> memref<2048x16x128xf32, #tpu.memory_space<hbm>>
    tpu.enqueue_indirect_dma source(%arg8 : memref<16x16x128xf32, #tpu.memory_space<vmem>>) target(%dma_start3A_162 : memref<2048x16x128xf32, #tpu.memory_space<hbm>>) offsets(%dma_start3A_158 : memref<16xi32, #tpu.memory_space<vmem>>) semaphore(%arg10 : memref<!tpu.dma_semaphore, #tpu.memory_space<semaphore_mem>>)
    %dma_wait3A_163 = arith.constant 0 : i32
    %dma_wait3A_164 = arith.constant 0 : i32
    %dma_wait3A_165 = tpu.memref_slice %arg2[%add3A_142, %dma_wait3A_163, %dma_wait3A_164] : memref<2048x16x128xf32, #tpu.memory_space<hbm>> -> memref<16x16x128xf32, #tpu.memory_space<hbm>>
    %dma_wait3A_166 = arith.constant 0 : i32
    %dma_wait3A_167 = arith.constant 0 : i32
    %dma_wait3A_168 = tpu.memref_slice %arg2[%add3A_142, %dma_wait3A_166, %dma_wait3A_167] : memref<2048x16x128xf32, #tpu.memory_space<hbm>> -> memref<16x16x128xf32, #tpu.memory_space<hbm>>
    tpu.wait_dma2 semaphore(%arg9 : memref<!tpu.dma_semaphore, #tpu.memory_space<semaphore_mem>>) src(%dma_wait3A_168 : memref<16x16x128xf32, #tpu.memory_space<hbm>>) dst(%arg6 : memref<16x16x128xf32, #tpu.memory_space<vmem>>)
    %dma_start3A_169 = arith.constant 3 : i32
    %dma_start3A_170 = arith.constant 0 : i32
    %dma_start3A_171 = tpu.memref_slice %arg5[%dma_start3A_169, %dma_start3A_170] : memref<4x16xi32, #tpu.memory_space<vmem>> -> memref<1x16xi32, #tpu.memory_space<vmem>>
    %dma_start3A_172 = tpu.memref_squeeze %dma_start3A_171 : memref<1x16xi32, #tpu.memory_space<vmem>> -> memref<16xi32, #tpu.memory_space<vmem>>
    %dma_start3A_173 = arith.constant 0 : i32
    %dma_start3A_174 = arith.constant 0 : i32
    %dma_start3A_175 = arith.constant 0 : i32
    %dma_start3A_176 = tpu.memref_slice %arg4[%dma_start3A_173, %dma_start3A_174, %dma_start3A_175] : memref<2048x16x128xf32, #tpu.memory_space<hbm>> -> memref<2048x16x128xf32, #tpu.memory_space<hbm>>
    tpu.enqueue_indirect_dma source(%arg6 : memref<16x16x128xf32, #tpu.memory_space<vmem>>) target(%dma_start3A_176 : memref<2048x16x128xf32, #tpu.memory_space<hbm>>) offsets(%dma_start3A_172 : memref<16xi32, #tpu.memory_space<vmem>>) semaphore(%arg10 : memref<!tpu.dma_semaphore, #tpu.memory_space<semaphore_mem>>)
    %dma_wait3A_177 = arith.constant 1 : i32
    %dma_wait3A_178 = arith.constant 0 : i32
    %dma_wait3A_179 = tpu.memref_slice %arg5[%dma_wait3A_177, %dma_wait3A_178] : memref<4x16xi32, #tpu.memory_space<vmem>> -> memref<1x16xi32, #tpu.memory_space<vmem>>
    %dma_wait3A_180 = tpu.memref_squeeze %dma_wait3A_179 : memref<1x16xi32, #tpu.memory_space<vmem>> -> memref<16xi32, #tpu.memory_space<vmem>>
    %dma_wait3A_181 = arith.constant 0 : i32
    %dma_wait3A_182 = arith.constant 0 : i32
    %dma_wait3A_183 = arith.constant 0 : i32
    %dma_wait3A_184 = tpu.memref_slice %arg4[%dma_wait3A_181, %dma_wait3A_182, %dma_wait3A_183] : memref<2048x16x128xf32, #tpu.memory_space<hbm>> -> memref<2048x16x128xf32, #tpu.memory_space<hbm>>
    tpu.wait_indirect_dma semaphore(%arg10 : memref<!tpu.dma_semaphore, #tpu.memory_space<semaphore_mem>>) src(%arg7 : memref<16x16x128xf32, #tpu.memory_space<vmem>>) dst(%dma_wait3A_184 : memref<2048x16x128xf32, #tpu.memory_space<hbm>>)
    %dma_wait3A_185 = arith.constant 2 : i32
    %dma_wait3A_186 = arith.constant 0 : i32
    %dma_wait3A_187 = tpu.memref_slice %arg5[%dma_wait3A_185, %dma_wait3A_186] : memref<4x16xi32, #tpu.memory_space<vmem>> -> memref<1x16xi32, #tpu.memory_space<vmem>>
    %dma_wait3A_188 = tpu.memref_squeeze %dma_wait3A_187 : memref<1x16xi32, #tpu.memory_space<vmem>> -> memref<16xi32, #tpu.memory_space<vmem>>
    %dma_wait3A_189 = arith.constant 0 : i32
    %dma_wait3A_190 = arith.constant 0 : i32
    %dma_wait3A_191 = arith.constant 0 : i32
    %dma_wait3A_192 = tpu.memref_slice %arg4[%dma_wait3A_189, %dma_wait3A_190, %dma_wait3A_191] : memref<2048x16x128xf32, #tpu.memory_space<hbm>> -> memref<2048x16x128xf32, #tpu.memory_space<hbm>>
    tpu.wait_indirect_dma semaphore(%arg10 : memref<!tpu.dma_semaphore, #tpu.memory_space<semaphore_mem>>) src(%arg8 : memref<16x16x128xf32, #tpu.memory_space<vmem>>) dst(%dma_wait3A_192 : memref<2048x16x128xf32, #tpu.memory_space<hbm>>)
    %dma_wait3A_193 = arith.constant 3 : i32
    %dma_wait3A_194 = arith.constant 0 : i32
    %dma_wait3A_195 = tpu.memref_slice %arg5[%dma_wait3A_193, %dma_wait3A_194] : memref<4x16xi32, #tpu.memory_space<vmem>> -> memref<1x16xi32, #tpu.memory_space<vmem>>
    %dma_wait3A_196 = tpu.memref_squeeze %dma_wait3A_195 : memref<1x16xi32, #tpu.memory_space<vmem>> -> memref<16xi32, #tpu.memory_space<vmem>>
    %dma_wait3A_197 = arith.constant 0 : i32
    %dma_wait3A_198 = arith.constant 0 : i32
    %dma_wait3A_199 = arith.constant 0 : i32
    %dma_wait3A_200 = tpu.memref_slice %arg4[%dma_wait3A_197, %dma_wait3A_198, %dma_wait3A_199] : memref<2048x16x128xf32, #tpu.memory_space<hbm>> -> memref<2048x16x128xf32, #tpu.memory_space<hbm>>
    tpu.wait_indirect_dma semaphore(%arg10 : memref<!tpu.dma_semaphore, #tpu.memory_space<semaphore_mem>>) src(%arg6 : memref<16x16x128xf32, #tpu.memory_space<vmem>>) dst(%dma_wait3A_200 : memref<2048x16x128xf32, #tpu.memory_space<hbm>>)
    return
  }
}

module attributes {stable_mosaic.version = 14 : i64} {
  func.func @_tc_body(%arg0: i32, %arg1: memref<2048xi32, #tpu.memory_space<smem>>, %arg2: memref<1024x16x128xf32, #tpu.memory_space<vmem>>, %arg3: memref<1024x16x128xf32, #tpu.memory_space<vmem>>) attributes {dimension_semantics = [#tpu.dimension_semantics<arbitrary>], iteration_bounds = array<i64: 2>, scalar_prefetch = 1 : i64, scratch_operands = 0 : i64, tpu.core_type = #tpu.core_type<tc>, window_params = [{transform_indices = @transform_0, window_bounds = array<i64: 1024, 16, 128>}, {transform_indices = @transform_1, window_bounds = array<i64: 1024, 16, 128>}]} {
    %get3A = arith.constant 0 : index
    %get3A_0 = arith.constant 0 : index
    %get3A_1 = arith.constant 0 : index
    %get3A_2 = vector.load %arg2[%get3A, %get3A_0, %get3A_1] : memref<1024x16x128xf32, #tpu.memory_space<vmem>>, vector<1024x16x128xf32>
    %swap3A = arith.constant 0 : index
    %swap3A_3 = arith.constant 0 : index
    %swap3A_4 = arith.constant 0 : index
    %swap3A_5 = vector.load %arg3[%swap3A, %swap3A_3, %swap3A_4] : memref<1024x16x128xf32, #tpu.memory_space<vmem>>, vector<1024x16x128xf32>
    tpu.vector_store %arg3[%swap3A, %swap3A_3, %swap3A_4], %get3A_2 {strides = array<i32>} : memref<1024x16x128xf32, #tpu.memory_space<vmem>>, vector<1024x16x128xf32>,
    return
  }
  func.func @transform_0(%arg0: i32, %arg1: memref<2048xi32, #tpu.memory_space<smem>>) -> (i32, i32, i32) {
    %c0_i32 = arith.constant 0 : i32
    %c0_i32_0 = arith.constant 0 : i32
    %c0_i32_1 = arith.constant 0 : i32
    return %arg0, %c0_i32, %c0_i32_0 : i32, i32, i32
  }
  func.func @transform_1(%arg0: i32, %arg1: memref<2048xi32, #tpu.memory_space<smem>>) -> (i32, i32, i32) {
    %mul3A = arith.constant 1024 : i32
    %mul3A_0 = arith.muli %arg0, %mul3A : i32
    %get3A = arith.index_cast %mul3A_0 : i32 to index
    %get3A_1 = memref.load %arg1[%get3A] : memref<2048xi32, #tpu.memory_space<smem>>
    %jit3A = arith.constant 1024 : i32
    %div3A = arith.divsi %get3A_1, %jit3A : i32
    %sign3A = arith.constant 0 : i32
    %sign3A_2 = arith.cmpi sgt, %get3A_1, %sign3A : i32
    %sign3A_3 = arith.extui %sign3A_2 : i1 to i32
    %sign3A_4 = arith.constant 0 : i32
    %sign3A_5 = arith.cmpi slt, %get3A_1, %sign3A_4 : i32
    %sign3A_6 = arith.extui %sign3A_5 : i1 to i32
    %sign3A_7 = arith.subi %sign3A_3, %sign3A_6 : i32
    %sign3A_8 = arith.constant 0 : i32
    %sign3A_9 = arith.cmpi sgt, %jit3A, %sign3A_8 : i32
    %sign3A_10 = arith.extui %sign3A_9 : i1 to i32
    %sign3A_11 = arith.constant 0 : i32
    %sign3A_12 = arith.cmpi slt, %jit3A, %sign3A_11 : i32
    %sign3A_13 = arith.extui %sign3A_12 : i1 to i32
    %sign3A_14 = arith.subi %sign3A_10, %sign3A_13 : i32
    %ne3A = arith.cmpi ne, %sign3A_7, %sign3A_14 : i32
    %rem3A = arith.remsi %get3A_1, %jit3A : i32
    %ne3A_15 = arith.constant 0 : i32
    %ne3A_16 = arith.cmpi ne, %rem3A, %ne3A_15 : i32
    %and3A = arith.andi %ne3A, %ne3A_16 : i1
    %sub3A = arith.constant 1 : i32
    %sub3A_17 = arith.subi %div3A, %sub3A : i32
    %select_n3A = arith.select %and3A, %sub3A_17, %div3A : i32
    %c0_i32 = arith.constant 0 : i32
    %c0_i32_18 = arith.constant 0 : i32
    %c0_i32_19 = arith.constant 0 : i32
    return %select_n3A, %c0_i32, %c0_i32_18 : i32, i32, i32
  }
}

</mosaic_0001>

<sc_bundles>
// kernel: kernel.4.cloned.1.call-start
scs
__scs_entry_jumppad:
0x0: {  	(pc) =	sbr.rel $0x88, $3  }
0x1: {  	(tag) =	ssettag $0x0;
	lr =	simm.s32 $0x1  }
0x2: {  	[smem:$0x3F9E] =	sst lr;
	_ =	strace $0xD0000000  }
0x3: {  	_ = 	snop  }
0x4: {  	_ = 	snop  }
0x5: {  	_ = 	snop  }
0x6: {  	_ = 	snop  }
0x7: {  	_ = 	snop  }
__scs_overlays_trampoline_lowered:
0x8: {  	[smem:$0x3FAD] =	sst s0  }
0x9: {  	[smem:$0x3FAE] =	sst s1  }
0xa: {  	[smem:$0x3FAF] =	sst s2  }
0xb: {  	[smem:$0x3FB0] =	sst s3  }
0xc: {  	[smem:$0x3FB1] =	sst s4  }
0xd: {  	[smem:$0x3FB2] =	sst s5  }
0xe: {  	[smem:$0x3FB3] =	sst s6  }
0xf: {  	[smem:$0x3FB4] =	sst s7  }
0x10: {  	[smem:$0x3FB5] =	sst s8  }
0x11: {  	[smem:$0x3FB6] =	sst s9;
	s0 =	simm.s32 @!p0 $0x0  }
0x12: {  	s1 =	sld [smem:$0x3F9C];
	s0 =	simm.s32 @p0 $0x1  }
0x13: {  	[smem:$0x3FB7] =	sst s0;
	s0 =	simm.s32 @!p1 $0x0  }
0x14: {  	s2 =	sld [smem:$0x3F9B];
	s0 =	simm.s32 @p1 $0x1  }
0x15: {  	[smem:$0x3FB8] =	sst s0;
	s0 =	simm.s32 @!p2 $0x0  }
0x16: {  	s3 =	sld [smem:$0x3FDB];
	s0 =	simm.s32 @p2 $0x1  }
0x17: {  	s4 =	simm.s32 $0x1BF5;
	[smem:$0x3FBA] =	sst s0  }
0x18: {  	s0 =	sld [smem:$0x3F9D];
	_ =	swait.ge [sflag:s4], $0x0  }
0x19: {  	s7 =	sld [smem:$0x3F9E]  }
0x1a: {  	s8 =	sadd.s32 $0xFFFFE003, lr  }
0x1b: {  	s9 =	sadd.s32 $0xFFFFFEF7, lr;
	s5 =	simm.s32 $0xFFFFFFFF;
	p2 =	slt.u32 s8, $0xFFFFF086  }
0x1c: {  	p1 =	slt.u32 s9, $0xF7A;
	s5 =	simm.s32 @!p2 $0x0  }
0x1d: {  	s5 =	simm.s32 @p1 $0x1;
	p0 =	seq.s32 s7, s2  }
0x1e: {  	s7 =	smul.u32 @!p0 $0xF7A, s2;
	p2 =	seq.s32 @!p0 s5, $0x0  }
0x1f: {  	s9 =	smul.u32 $0xF7A, s1;
	s8 =	simm.s32 @!p0 $0x1BF5;
	p2 =	por !p2, p0  }
0x20: {  	[sflag:s8] =	ssyncset.s32 @!p0 $0xFFFFF086;
	s6 =	sadd.s32 @!p0 s3, s7;
	s7 =	simm.s32 @!p0 $0x108  }
0x21: {  	s3 =	sadd.s32 s3, s9;
	s6 =	sadd.s32 @!p0 $0x88, s6;
	s7 =	simm.s32 @p2 $0x1082  }
0x22: {  	[simem:s7], [sflag:s8] =	dma.local @!p0 [hbm:s6], $0xF7A  }
0x23: {  	s9 =	sor.u32 $0xD0000000, s2;
	s6 =	simm.s32 $0x108;
	_ =	swait.ge @!p0 [sflag:s8], $0x0  }
0x24: {  	s3 =	sadd.s32 $0x88, s3;
	s6 =	simm.s32 @!p1 $0x1082;
	[sflag:s4] =	ssyncset.s32 $0xFFFFF086  }
0x25: {  	[simem:s6], [sflag:s4] =	dma.local [hbm:s3], $0xF7A  }
0x26: {  	[smem:$0x3F9E] =	sst s1;
	(tag) =	ssettag s2;
	_ =	strace s9  }
0x27: {  	s1 =	sld [smem:$0x3FAE]  }
0x28: {  	s2 =	sld [smem:$0x3FAF]  }
0x29: {  	s4 =	sld [smem:$0x3FB1]  }
0x2a: {  	p0 =	seq.s32 s5, $0x0;
	s5 =	sld [smem:$0x3FB2]  }
0x2b: {  	s6 =	sld [smem:$0x3FB3]  }
0x2c: {  	s7 =	sld [smem:$0x3FB4]  }
0x2d: {  	s3 =	simm.s32 $0x108;
	s8 =	sld [smem:$0x3FB5]  }
0x2e: {  	s3 =	simm.s32 @!p0 $0x1082;
	s9 =	sld [smem:$0x3FB6]  }
0x2f: {  	lr =	sadd.s32 s0, s3;
	s0 =	sld [smem:$0x3FAD]  }
0x30: {  	s3 =	sld [smem:$0x3FB0]  }
0x31: {  	[smem:$0x3FB9] =	sst s10  }
0x32: {  	s10 =	sld [smem:$0x3FB7];
	_ =	sdelay $0x3  }
0x33: {  	p0 =	seq.s32 s10, $0x1;
	s10 =	sld [smem:$0x3FB9];
	_ =	sdelay $0x3  }
0x34: {  	[smem:$0x3FB9] =	sst s10  }
0x35: {  	s10 =	sld [smem:$0x3FB8];
	_ =	sdelay $0x3  }
0x36: {  	p1 =	seq.s32 s10, $0x1;
	s10 =	sld [smem:$0x3FB9];
	_ =	sdelay $0x3  }
0x37: {  	[smem:$0x3FB9] =	sst s10  }
0x38: {  	s10 =	sld [smem:$0x3FBA]  }
0x39: {  	_ = 	snop;
	(pc) =	sbr.ind lr, $3  }
0x3a: {  	_ = 	snop  }
0x3b: {  	_ = 	snop  }
0x3c: {  	p2 =	seq.s32 s10, $0x1;
	s10 =	sld [smem:$0x3FB9]  }
0x3d: {  	_ =	shalt  }
0x3e: {  	_ =	shalt  }
0x3f: {  	_ =	shalt  }
0x40: {  	_ =	shalt  }
0x41: {  	_ =	shalt  }
0x42: {  	_ =	shalt  }
0x43: {  	_ =	shalt  }
0x44: {  	_ =	shalt  }
0x45: {  	_ =	shalt  }
0x46: {  	_ =	shalt  }
0x47: {  	_ =	shalt  }
0x48: {  	_ =	shalt  }
0x49: {  	_ =	shalt  }
0x4a: {  	_ =	shalt  }
0x4b: {  	_ =	shalt  }
0x4c: {  	_ =	shalt  }
0x4d: {  	_ =	shalt  }
0x4e: {  	_ =	shalt  }
0x4f: {  	_ =	shalt  }
0x50: {  	_ =	shalt  }
0x51: {  	_ =	shalt  }
0x52: {  	_ =	shalt  }
0x53: {  	_ =	shalt  }
0x54: {  	_ =	shalt  }
0x55: {  	_ =	shalt  }
0x56: {  	_ =	shalt  }
0x57: {  	_ =	shalt  }
0x58: {  	_ =	shalt  }
0x59: {  	_ =	shalt  }
0x5a: {  	_ =	shalt  }
0x5b: {  	_ =	shalt  }
0x5c: {  	_ =	shalt  }
0x5d: {  	_ =	shalt  }
0x5e: {  	_ =	shalt  }
0x5f: {  	_ =	shalt  }
0x60: {  	_ =	shalt  }
0x61: {  	_ =	shalt  }
0x62: {  	_ =	shalt  }
0x63: {  	_ =	shalt  }
0x64: {  	_ =	shalt  }
0x65: {  	_ =	shalt  }
0x66: {  	_ =	shalt  }
0x67: {  	_ =	shalt  }
0x68: {  	_ =	shalt  }
0x69: {  	_ =	shalt  }
0x6a: {  	_ =	shalt  }
0x6b: {  	_ =	shalt  }
0x6c: {  	_ =	shalt  }
0x6d: {  	_ =	shalt  }
0x6e: {  	_ =	shalt  }
0x6f: {  	_ =	shalt  }
0x70: {  	_ =	shalt  }
0x71: {  	_ =	shalt  }
0x72: {  	_ =	shalt  }
0x73: {  	_ =	shalt  }
0x74: {  	_ =	shalt  }
0x75: {  	_ =	shalt  }
0x76: {  	_ =	shalt  }
0x77: {  	_ =	shalt  }
0x78: {  	_ =	shalt  }
0x79: {  	_ =	shalt  }
0x7a: {  	_ =	shalt  }
0x7b: {  	_ =	shalt  }
0x7c: {  	_ =	shalt  }
0x7d: {  	_ =	shalt  }
0x7e: {  	_ =	shalt  }
0x7f: {  	_ =	shalt  }
0x80: {  	_ =	shalt  }
0x81: {  	_ =	shalt  }
0x82: {  	_ =	shalt  }
0x83: {  	_ =	shalt  }
0x84: {  	_ =	shalt  }
0x85: {  	_ =	shalt  }
0x86: {  	_ =	shalt  }
0x87: {  	_ =	shalt  }
.Lfunc_end0:
.L_simem_size_0:
called_computation_lowered:
.L_overlay_start_0:
0x88: {  	s2 =	sld [smem:$0x3FD9]  }
0x89: {  	s3 =	sld [smem:$0x3FFE];
	_ =	sdelay $0x1  }
0x8a: {  	s1 =	srdreg.scid  }
0x8b: {  	s0 =	sand.u32 $0x1, s1  }
0x8c: {  	s15 =	sshll.u32 s0, $0xA;
	s2 =	sadd.s32 s3, s2  }
0x8d: {  	s2 =	sadd.s32 s2, s15  }
0x8e: {  	[smem:$0x3FC5] =	sst s2  }
0x8f: {  	_ = 	snop  }
0x90: {  	s2 =	sld [smem:$0x3FD0];
	_ =	sdelay $0x1  }
0x91: {  	s16 =	sld [smem:$0x3FC9]  }
0x92: {  	s5 =	simm.s32 $0xA;
	s6 =	simm.s32 $0x10;
	s4 =	sld [smem:$0x3FC7]  }
0x93: {  	[smem:s6], [sflag:s5] =	dma.local [hbm:s2], $0x1  }
0x94: {  	_ =	swait.eq [sflag:s5], $0x1  }
0x95: {  	[sflag:s5] =	ssyncset.done $0x0  }
0x96: {  	[sflag:s5] =	ssyncadd.s32 $0xFFFFFFFF  }
0x97: {  	s17 =	sld [smem:$0x10];
	(tm) =	ssettm $0x1  }
0x98: {  	s18 =	sld [smem:$0x3FFB];
	_ =	sdelay $0x3  }
0x99: {  	_ =	strace s18  }
0x9a: {  	s5 =	sld [smem:$0x3FFC];
	_ =	sdelay $0x3  }
0x9b: {  	_ =	strace s5  }
0x9c: {  	s5 =	sld [smem:$0x3FFD];
	_ =	sdelay $0x3  }
0x9d: {  	_ =	strace s5  }
0x9e: {  	_ =	strace $0x8FFFFFFF  }
0x9f: {  	s19 =	sld [smem:$0x3FDB];
	_ =	sdelay $0x1  }
0xa0: {  	s20 =	simm.s32 $_scs_section_size  }
0xa1: {  	s7 =	simm.s32 $_size__tile_overlayer_lowered;
	s8 =	simm.s32 $_tile_overlayer_lowered  }
0xa2: {  	s23 =	simm.s32 $0x1BFF;
	s22 =	sshll.u32 s8, $0x1;
	s5 =	sadd.s32 s20, s19  }
0xa3: {  	s9 =	simm.s32 $0x0;
	s21 =	sshll.u32 s7, $0x1;
	s7 =	sadd.s32 s22, s5  }
0xa4: {  	[timem:s9], [sflag:s23] =	dma.local [hbm:s7], s21  }
0xa5: {  	_ =	swait.ge [sflag:s23], s21  }
0xa6: {  	s6 =	ssub.s32 $0x0, s21;
	[sflag:s23] =	ssyncset.done $0x0  }
0xa7: {  	[sflag:s23] =	ssyncadd.s32 s6;
	_ =	sdelay $0x1  }
0xa8: {  	s24 =	simm.s32 $0x1B8B  }
0xa9: {  	_ =	swait.ge [sflag:s24], $0x1  }
0xaa: {  	[sflag:s24] =	ssyncset.done $0x0  }
0xab: {  	s25 =	simm.s32 $0x1B8E;
	[sflag:s24] =	ssyncadd.s32 $0xFFFFFFFF  }
0xac: {  	s26 =	simm.s32 $execute0_lowered;
	[smem:$0x3FD2] =	sst s25  }
0xad: {  	s6 =	sshll.u32 s26, $0x1;
	_ =	strace $0x80000046;
	[dreg:$0x1] =	wrdreg $0xFFFFFFFF  }
0xae: {  	s28 =	simm.s32 $_size_execute0_lowered;
	s5 =	sadd.s32 s5, s6;
	[dreg:$0x0] =	wrdreg $0x0  }
0xaf: {  	s6 =	sshll.u32 s28, $0x1;
	[dreg:$0x2] =	wrdreg s5  }
0xb0: {  	[dreg:$0x3] =	wrdreg s6  }
0xb1: {  	[dreg:$0x4] =	wrdreg $0xC0  }
0xb2: {  	_ =	task [dreg:s9], $0x5FFFF  }
0xb3: {  	[dreg:$0x1] =	wrdreg $0xFFFFFFFF  }
0xb4: {  	[dreg:$0x0] =	wrdreg $0x60  }
0xb5: {  	[dreg:$0x2] =	wrdreg s16  }
0xb6: {  	[dreg:$0x3] =	wrdreg s4  }
0xb7: {  	[dreg:$0x4] =	wrdreg s17  }
0xb8: {  	[dreg:$0x5] =	wrdreg $0x9  }
0xb9: {  	_ =	task.clear_ibuf [dreg:s9], $0x6FFFF;
	_ =	strace $0x90000046  }
0xba: {  	s29 =	simm.s32 $0x9;
	_ =	strace $0x80000048  }
0xbb: {  	_ =	swait.ge [sflag:s29], $0x1  }
0xbc: {  	[sflag:s29] =	ssyncadd.s32 $0xFFFFFFFF  }
0xbd: {  	_ =	strace $0x90000048  }
0xbe: {  	_ =	sfence  }
0xbf: {  	s30 =	sld [smem:$0x0];
	_ =	sdelay $0x2  }
0xc0: {  	s31 =	sshll.u32 s1, $0xD;
	s1 =	sshrl.u32 s1, $0x2  }
0xc1: {  	s3 =	sand.u32 $0x4000, s31;
	s1 =	sadd.s32 s1, s30  }
0xc2: {  	s0 =	sor.u32 s3, s0;
	s1 =	sshll.u32 s1, $0x11  }
0xc3: {  	s0 =	sor.u32 s1, s0  }
0xc4: {  	s0 =	sadd.s32 $0x8F2B, s0  }
0xc5: {  	[sflag:s0] =	ssyncadd.remote.s32 $0x1  }
0xc6: {  	_ =	sfence.sel $0xFFFF  }
0xc7: {  	[dreg:$0x0] =	wrdreg $0xFFFFFFFF;
	(pc) =	sbr.abs _section_cstart, $3  }
0xc8: {  	[dreg:$0x1] =	wrdreg $0xFFFFFFFF  }
0xc9: {  	_ =	task.clear_ibuf [dreg:s9], $0x2FFFF;
	_ =	strace $0x9FFFFFFF  }
0xca: {  	(tm) =	ssettm $0x7FFFFFFF  }
0xcb: {  	_ =	shalt  }
tec
execute0_lowered:
.L_overlay_start_1:
0x0: {  	(tag) =	ssettag $0x1  }
0x1: {  	s21 =	rddreg [dreg:$0x0];
	s1 =	srdreg.scid  }
0x2: {  	s9 =	rddreg [dreg:$0x1];
	s0 =	stileid.u32  }
0x3: {  	s2 =	rddreg [dreg:$0x2];
	s3 =	simm.s32 $0x0;
	s22 =	sand.u32 $0x1, s1  }
0x4: {  	s4 =	sshll.u32 s0, $0x7;
	s1 =	rddreg [dreg:$0x3];
	s5 =	sshll.u32 s22, $0x6  }
0x5: {  	s6 =	simm.s32 $0x80;
	[smem:$0x7FF] =	sst s3;
	s10 =	sor.u32 s5, s4  }
0x6: {  	_ =	strace $0x80000047;
	s12 =	sor.u32 $0x10, s10;
	s4 =	sshrl.u32 s10, $0x3  }
0x7: {  	s14 =	sor.u32 $0x20, s10;
	s29 =	sshrl.u32 s12, $0x3;
	s4 =	sadd.s32 s9, s4  }
0x8: {  	[tilespmem:s3], [sflag:$0x3] =	stream.linear.gather [hbm4b:s4+s3], $0x10, $0x38;
	[tilespmem:$0x18200] =	vst v63  }
0x9: {  	s23 =	sor.u32 $0x30, s10;
	s7 =	sshrl.u32 s14, $0x3;
	s5 =	sadd.s32 s9, s29  }
0xa: {  	[tilespmem:s6], [sflag:$0x3] =	stream.linear.gather [hbm4b:s5+s3], $0x10, $0x38;
	[tilespmem:$0x18200] =	vst v63  }
0xb: {  	s8 =	simm.s32 $0x100;
	s11 =	sshrl.u32 s23, $0x3;
	s7 =	sadd.s32 s9, s7  }
0xc: {  	[tilespmem:s8], [sflag:$0x3] =	stream.linear.gather [hbm4b:s7+s3], $0x10, $0x38;
	[tilespmem:$0x18200] =	vst v63  }
0xd: {  	s30 =	sshll.u32 s10, $0x8;
	s10 =	simm.s32 $0x180;
	s9 =	sadd.s32 s9, s11  }
0xe: {  	[tilespmem:s10], [sflag:$0x3] =	stream.linear.gather [hbm4b:s9+s3], $0x10, $0x38;
	[tilespmem:$0x18200] =	vst v63  }
0xf: {  	s13 =	sshll.u32 s12, $0x8;
	s12 =	simm.s32 $0x200;
	s11 =	sadd.s32 s21, s30  }
0x10: {  	[tilespmem:s12], [sflag:$0x1] =	stream.linear.gather [hbm4b:s11+s3], $0x8000, $0x38;
	[tilespmem:$0x18200] =	vst v63  }
0x11: {  	s15 =	sshll.u32 s14, $0x8;
	s14 =	simm.s32 $0x8200;
	s13 =	sadd.s32 s21, s13  }
0x12: {  	[tilespmem:s14], [sflag:$0x1] =	stream.linear.gather [hbm4b:s13+s3], $0x8000, $0x38;
	[tilespmem:$0x18200] =	vst v63  }
0x13: {  	s16 =	simm.s32 $0x10200;
	s17 =	simm.s32 $0x3;
	s15 =	sadd.s32 s21, s15  }
0x14: {  	[tilespmem:s16], [sflag:$0x1] =	stream.linear.gather [hbm4b:s15+s3], $0x8000, $0x38;
	[tilespmem:$0x18200] =	vst v63  }
0x15: {  	_ =	swait.ge [sflag:s17], $0x10  }
0x16: {  	[sflag:s17] =	ssyncset.done $0x0  }
0x17: {  	[sflag:s17] =	ssyncadd.s32 $0xFFFFFFF0  }
0x18: {  	_ =	swait.ge [sflag:s17], $0x10  }
0x19: {  	[sflag:s17] =	ssyncset.done $0x0  }
0x1a: {  	[sflag:s17] =	ssyncadd.s32 $0xFFFFFFF0  }
0x1b: {  	_ =	swait.ge [sflag:s17], $0x10  }
0x1c: {  	[sflag:s17] =	ssyncset.done $0x0  }
0x1d: {  	[sflag:s17] =	ssyncadd.s32 $0xFFFFFFF0  }
0x1e: {  	_ =	swait.ge [sflag:s17], $0x10  }
0x1f: {  	[sflag:s17] =	ssyncset.done $0x0  }
0x20: {  	s18 =	simm.s32 $0x1;
	[sflag:s17] =	ssyncadd.s32 $0xFFFFFFF0  }
0x21: {  	_ =	swait.ge [sflag:s18], $0x8000  }
0x22: {  	[sflag:s18] =	ssyncset.done $0x0  }
0x23: {  	s19 =	simm.s32 $0x10;
	[sflag:s18] =	ssyncadd.s32 $0xFFFF8000  }
0x24: {  	[hbm4b:s2+s19] =	stream.indirect.scatter [tilespmem:s12], [sflag:$0x2], $0x800, s3, s19, $0xb8;
	[tilespmem:$0x18200] =	vst v63  }
0x25: {  	_ =	swait.ge [sflag:s18], $0x8000  }
0x26: {  	[sflag:s18] =	ssyncset.done $0x0  }
0x27: {  	s20 =	simm.s32 $0x2;
	[sflag:s18] =	ssyncadd.s32 $0xFFFF8000  }
0x28: {  	[hbm4b:s2+s19] =	stream.indirect.scatter [tilespmem:s14], [sflag:$0x2], $0x800, s6, s19, $0xb8;
	[tilespmem:$0x18200] =	vst v63  }
0x29: {  	_ =	swait.ge [sflag:s20], $0x8000  }
0x2a: {  	s23 =	sshll.u32 s23, $0x8;
	[sflag:s20] =	ssyncset.done $0x0  }
0x2b: {  	s21 =	sadd.s32 s21, s23;
	[sflag:s20] =	ssyncadd.s32 $0xFFFF8000  }
0x2c: {  	[tilespmem:s12], [sflag:$0x1] =	stream.linear.gather [hbm4b:s21+s3], $0x8000, $0x38;
	[tilespmem:$0x18200] =	vst v63  }
0x2d: {  	_ =	swait.ge [sflag:s18], $0x8000  }
0x2e: {  	[sflag:s18] =	ssyncset.done $0x0  }
0x2f: {  	[sflag:s18] =	ssyncadd.s32 $0xFFFF8000  }
0x30: {  	[hbm4b:s2+s19] =	stream.indirect.scatter [tilespmem:s16], [sflag:$0x2], $0x800, s8, s19, $0xb8;
	[tilespmem:$0x18200] =	vst v63  }
0x31: {  	_ =	swait.ge [sflag:s18], $0x8000  }
0x32: {  	s22 =	ssub.s32 $0x2, s22;
	[sflag:s18] =	ssyncset.done $0x0  }
0x33: {  	s31 =	sshrl.u32 s22, $0x1;
	[sflag:s18] =	ssyncadd.s32 $0xFFFF8000  }
0x34: {  	[hbm4b:s2+s19] =	stream.indirect.scatter [tilespmem:s12], [sflag:$0x2], $0x800, s10, s19, $0xb8;
	[tilespmem:$0x18200] =	vst v63  }
0x35: {  	s22 =	ssub.s32 s22, s31;
	_ =	swait.ge [sflag:s20], $0x8000  }
0x36: {  	s22 =	smax.u32 s22, $0x1;
	[sflag:s20] =	ssyncset.done $0x0  }
0x37: {  	p0 =	sne.s32 s22, $0x1;
	[sflag:s20] =	ssyncadd.s32 $0xFFFF8000  }
.Ltmp0:
0x38: {  	_ =	swait.ge [sflag:s20], $0x8000;
	(pc) =	sbr.rel @!p0 .LBB2_2-.Ltmp0, $4  }
0x39: {  	[sflag:s20] =	ssyncset.done $0x0  }
0x3a: {  	[sflag:s20] =	ssyncadd.s32 $0xFFFF8000  }
0x3b: {  	_ =	swait.ge [sflag:s20], $0x8000  }
0x3c: {  	s22 =	sadd.s32 $0xFFFFFFFF, s22;
	[sflag:s20] =	ssyncset.done $0x0  }
.LBB2_1:
0x3d: {  	p0 =	sne.s32 s22, $0x1;
	s22 =	sadd.s32 $0xFFFFFFFF, s22;
	[sflag:s20] =	ssyncadd.s32 $0xFFFF8000  }
0x3e: {  	[tilespmem:s3], [sflag:$0x3] =	stream.linear.gather [hbm4b:s4+s3], $0x10, $0x38;
	[tilespmem:$0x18200] =	vst v63  }
0x3f: {  	_ = 	snop  }
0x40: {  	[tilespmem:s6], [sflag:$0x3] =	stream.linear.gather [hbm4b:s5+s3], $0x10, $0x38;
	[tilespmem:$0x18200] =	vst v63  }
0x41: {  	_ = 	snop  }
0x42: {  	[tilespmem:s8], [sflag:$0x3] =	stream.linear.gather [hbm4b:s7+s3], $0x10, $0x38;
	[tilespmem:$0x18200] =	vst v63  }
0x43: {  	_ = 	snop  }
0x44: {  	[tilespmem:s10], [sflag:$0x3] =	stream.linear.gather [hbm4b:s9+s3], $0x10, $0x38;
	[tilespmem:$0x18200] =	vst v63  }
0x45: {  	_ = 	snop  }
0x46: {  	[tilespmem:s12], [sflag:$0x1] =	stream.linear.gather [hbm4b:s11+s3], $0x8000, $0x38;
	[tilespmem:$0x18200] =	vst v63  }
0x47: {  	_ = 	snop  }
0x48: {  	[tilespmem:s14], [sflag:$0x1] =	stream.linear.gather [hbm4b:s13+s3], $0x8000, $0x38;
	[tilespmem:$0x18200] =	vst v63  }
0x49: {  	_ = 	snop  }
0x4a: {  	[tilespmem:s16], [sflag:$0x1] =	stream.linear.gather [hbm4b:s15+s3], $0x8000, $0x38;
	[tilespmem:$0x18200] =	vst v63  }
0x4b: {  	_ =	swait.ge [sflag:s17], $0x10  }
0x4c: {  	[sflag:s17] =	ssyncset.done $0x0  }
0x4d: {  	[sflag:s17] =	ssyncadd.s32 $0xFFFFFFF0  }
0x4e: {  	_ =	swait.ge [sflag:s17], $0x10  }
0x4f: {  	[sflag:s17] =	ssyncset.done $0x0  }
0x50: {  	[sflag:s17] =	ssyncadd.s32 $0xFFFFFFF0  }
0x51: {  	_ =	swait.ge [sflag:s17], $0x10  }
0x52: {  	[sflag:s17] =	ssyncset.done $0x0  }
0x53: {  	[sflag:s17] =	ssyncadd.s32 $0xFFFFFFF0  }
0x54: {  	_ =	swait.ge [sflag:s17], $0x10  }
0x55: {  	[sflag:s17] =	ssyncset.done $0x0  }
0x56: {  	[sflag:s17] =	ssyncadd.s32 $0xFFFFFFF0  }
0x57: {  	_ =	swait.ge [sflag:s18], $0x8000  }
0x58: {  	[sflag:s18] =	ssyncset.done $0x0  }
0x59: {  	[sflag:s18] =	ssyncadd.s32 $0xFFFF8000  }
0x5a: {  	[hbm4b:s2+s19] =	stream.indirect.scatter [tilespmem:s12], [sflag:$0x2], $0x800, s3, s19, $0xb8;
	[tilespmem:$0x18200] =	vst v63  }
0x5b: {  	_ =	swait.ge [sflag:s18], $0x8000  }
0x5c: {  	[sflag:s18] =	ssyncset.done $0x0  }
0x5d: {  	[sflag:s18] =	ssyncadd.s32 $0xFFFF8000  }
0x5e: {  	[hbm4b:s2+s19] =	stream.indirect.scatter [tilespmem:s14], [sflag:$0x2], $0x800, s6, s19, $0xb8;
	[tilespmem:$0x18200] =	vst v63  }
0x5f: {  	_ =	swait.ge [sflag:s20], $0x8000  }
0x60: {  	[sflag:s20] =	ssyncset.done $0x0  }
0x61: {  	[sflag:s20] =	ssyncadd.s32 $0xFFFF8000  }
0x62: {  	[tilespmem:s12], [sflag:$0x1] =	stream.linear.gather [hbm4b:s21+s3], $0x8000, $0x38;
	[tilespmem:$0x18200] =	vst v63  }
0x63: {  	_ =	swait.ge [sflag:s18], $0x8000  }
0x64: {  	[sflag:s18] =	ssyncset.done $0x0  }
0x65: {  	[sflag:s18] =	ssyncadd.s32 $0xFFFF8000  }
0x66: {  	[hbm4b:s2+s19] =	stream.indirect.scatter [tilespmem:s16], [sflag:$0x2], $0x800, s8, s19, $0xb8;
	[tilespmem:$0x18200] =	vst v63  }
0x67: {  	_ =	swait.ge [sflag:s18], $0x8000  }
0x68: {  	[sflag:s18] =	ssyncset.done $0x0  }
0x69: {  	[sflag:s18] =	ssyncadd.s32 $0xFFFF8000  }
0x6a: {  	[hbm4b:s2+s19] =	stream.indirect.scatter [tilespmem:s12], [sflag:$0x2], $0x800, s10, s19, $0xb8;
	[tilespmem:$0x18200] =	vst v63  }
0x6b: {  	_ =	swait.ge [sflag:s20], $0x8000  }
0x6c: {  	[sflag:s20] =	ssyncset.done $0x0  }
0x6d: {  	[sflag:s20] =	ssyncadd.s32 $0xFFFF8000  }
.Ltmp1:
0x6e: {  	_ =	swait.ge [sflag:s20], $0x8000;
	(pc) =	sbr.rel @p0 .LBB2_1-.Ltmp1, $4  }
0x6f: {  	[sflag:s20] =	ssyncset.done $0x0  }
0x70: {  	[sflag:s20] =	ssyncadd.s32 $0xFFFF8000  }
0x71: {  	_ =	swait.ge [sflag:s20], $0x8000  }
0x72: {  	[sflag:s20] =	ssyncset.done $0x0  }
.LBB2_2:
0x73: {  	[sflag:s20] =	ssyncadd.s32 $0xFFFF8000  }
0x74: {  	_ =	sfence.sel $0x180000  }
0x75: {  	[bflag:$0x0] =	sbarrier.arrive $0xFFFF  }
0x76: {  	p0 =	sne.s32 s0, $0x0;
	_ =	strace $0x90000047  }
0x77: {  	s0 =	sadd.s32 @!p0 $0x100000, s1;
	[bflag:$0x2] =	sbarrier.arrive $0xFFFF  }
0x78: {  	[sflag:s0] =	ssyncadd.tile.s32 @!p0 $0x1;
	_ =	shalt  }
.Lfunc_end2:
_tile_overlayer_lowered:
.L_overlay_start_2:
0x79: {  	(tag) =	ssettag $0x2  }
0x7a: {  	s0 =	rddreg [dreg:$0x0];
	s2 =	stileid.u32  }
0x7b: {  	s1 =	rddreg [dreg:$0x1];
	p0 =	sne.s32 s2, $0x0  }
0x7c: {  	s3 =	rddreg [dreg:$0x2];
	[bflag:$0x3] =	sbarrier.arrive $0xFFFF;
	s2 =	simm.s32 @!p0 $0x1C04  }
0x7d: {  	[timem:s3], [sflag:s2] =	dma.local @!p0 [hbm:s0], s1  }
0x7e: {  	s0 =	simm.s32 @!p0 $0x4  }
0x7f: {  	_ =	swait.ge @!p0 [sflag:s0], s1  }
0x80: {  	s1 =	ssub.s32 @!p0 $0x0, s1;
	[sflag:s0] =	ssyncset.done @!p0 $0x0  }
0x81: {  	[sflag:s0] =	ssyncadd.s32 @!p0 s1  }
0x82: {  	[bflag:$0x3] =	sbarrier.arrive $0xFFFF  }
0x83: {  	_ =	shalt  }

</sc_bundles>
